<compile_context>
chip_gen: v7x
topology: tpu7x:2x2x1
jax: 0.10.2.dev20260603
libtpu: 0.0.44.dev20260713+nightly
codegen_flags: <defaults>
</compile_context>

<pallas_src>
import functools

import jax
import jax.numpy as jnp
from jax import lax
from jax.experimental import pallas as pl
from jax.experimental.pallas import tpu as pltpu
from jax.experimental.pallas import tpu_sc as plsc

N_NODES = 10000
N_GRAPHS = 64
HIDDEN = 512

NCORES = 2
NSUB = 16
NW = 32
BLK = 64
NBLK = 1
ROWS_PER_W = BLK * NBLK
SC_BASE = 4608
SC_ROWS = NW * ROWS_PER_W
TCA = SC_BASE
TCB_BASE = SC_BASE + SC_ROWS
TCB = 3328
TCC_BASE = 9984
TCC = 16
ZROWS = N_GRAPHS // NSUB

_mesh = plsc.VectorSubcoreMesh(core_axis_name="c", subcore_axis_name="s")


@functools.partial(
    pl.kernel,
    out_type=jax.ShapeDtypeStruct((NCORES, N_GRAPHS, 128), jnp.float32),
    mesh=_mesh,
    scratch_types=[
        pltpu.VMEM((NBLK, BLK, 128), jnp.float32),
        pltpu.VMEM((NBLK, BLK), jnp.int32),
        pltpu.VMEM((ZROWS, 128), jnp.float32),
        pltpu.VMEM_SHARED((N_GRAPHS, 128), jnp.float32),
        pltpu.SemaphoreType.DMA,
        pltpu.SemaphoreType.DMA,
        pltpu.SemaphoreType.DMA,
    ],
)
def _sc_segment_sums(x_hbm, ids_hbm, sums_hbm,
                     xbuf, idsb, zsums, shsums, semi, semx0, sems):
    cid = lax.axis_index("c")
    sid = lax.axis_index("s")
    w = sid * NCORES + cid
    base = SC_BASE + w * ROWS_PER_W
    zero16 = jnp.zeros((16,), jnp.float32)
    semx = (semx0,)

    loads = []
    idloads = []
    for j in range(NBLK):
        loads.append(pltpu.async_copy(
            x_hbm.at[pl.ds(base + j * BLK, BLK)], xbuf.at[j], semx[j]))
        idloads.append(pltpu.async_copy(
            ids_hbm.at[pl.ds(base + j * BLK, BLK)], idsb.at[j], semi))

    @pl.loop(0, ZROWS)
    def _(r):
        @pl.loop(0, 128, step=16)
        def _(c2):
            zsums.at[r, pl.ds(c2, 16)][...] = zero16

    pltpu.sync_copy(zsums, shsums.at[pl.ds(sid * ZROWS, ZROWS)])
    for j in range(NBLK):
        idloads[j].wait()
    plsc.subcore_barrier()

    scatters = []
    for j in range(NBLK):
        loads[j].wait()
        scatters.append(pltpu.async_copy(
            xbuf.at[j], shsums.at[idsb.at[j]], sems, add=True))
    for j in range(NBLK):
        scatters[j].wait()
    plsc.subcore_barrier()

    pltpu.sync_copy(shsums.at[pl.ds(sid * ZROWS, ZROWS)],
                    sums_hbm.at[cid].at[pl.ds(sid * ZROWS, ZROWS)])


def _onehot_matmul(ids, x_ref, n):
    seg_iota = lax.broadcasted_iota(jnp.int32, (N_GRAPHS, n), 0)
    onehot_t = (ids[None, :] == seg_iota).astype(jnp.bfloat16)
    return lax.dot_general(
        onehot_t, x_ref[...].astype(jnp.bfloat16), (((1,), (0,)), ((), ())),
        preferred_element_type=jnp.float32)


def _tc_partial_body(xa_ref, xb_ref, xc_ref, ball_ref, out_ref, cnt_ref):
    out_ref[...] = (
        _onehot_matmul(ball_ref[pl.ds(0, TCA)], xa_ref, TCA)
        + _onehot_matmul(ball_ref[pl.ds(TCB_BASE, TCB)], xb_ref, TCB)
        + _onehot_matmul(ball_ref[pl.ds(TCC_BASE, TCC)], xc_ref, TCC))
    all_iota = lax.broadcasted_iota(jnp.int32, (N_GRAPHS, N_NODES), 0)
    onehot_all = (ball_ref[...][None, :] == all_iota).astype(jnp.float32)
    cnt_ref[...] = jnp.sum(onehot_all, axis=1)[:, None]


def _tc_mlp_body(sp_ref, tp_ref, cnt_ref, u_ref, w1_ref, b1_ref,
                 w2_ref, b2_ref, w3_ref, b3_ref, out_ref):
    sums = sp_ref[0] + sp_ref[1] + tp_ref[...]
    mean = (sums / jnp.maximum(cnt_ref[...], 1.0)).astype(jnp.bfloat16)
    w1u = w1_ref[0:6, :].astype(jnp.bfloat16)
    w1x = w1_ref[6:, :].astype(jnp.bfloat16)
    h = (lax.dot_general(u_ref[...].astype(jnp.bfloat16), w1u,
                         (((1,), (0,)), ((), ())),
                         preferred_element_type=jnp.float32)
         + lax.dot_general(mean, w1x, (((1,), (0,)), ((), ())),
                           preferred_element_type=jnp.float32)
         + b1_ref[...])
    h = jnp.maximum(h, 0.0).astype(jnp.bfloat16)
    h = lax.dot_general(h, w2_ref[...].astype(jnp.bfloat16),
                        (((1,), (0,)), ((), ())),
                        preferred_element_type=jnp.float32) + b2_ref[...]
    h = jnp.maximum(h, 0.0).astype(jnp.bfloat16)
    out_ref[...] = lax.dot_general(h, w3_ref[...].astype(jnp.bfloat16),
                                   (((1,), (0,)), ((), ())),
                                   preferred_element_type=jnp.float32
                                   ) + b3_ref[...]


def kernel(x, edge_index, edge_attr, u, batch, W1, b1, W2, b2, W3, b3):
    del edge_index, edge_attr
    batch32 = batch.astype(jnp.int32)
    sums_p = _sc_segment_sums(x, batch32)
    tc_part, cnt = pl.pallas_call(
        _tc_partial_body,
        grid=(1,),
        in_specs=[
            pl.BlockSpec((TCA, 128), lambda i: (0, 0)),
            pl.BlockSpec((TCB, 128), lambda i: (TCB_BASE // TCB, 0)),
            pl.BlockSpec((TCC, 128), lambda i: (TCC_BASE // TCC, 0)),
            pl.BlockSpec((N_NODES,), lambda i: (0,)),
        ],
        out_specs=[
            pl.BlockSpec((N_GRAPHS, 128), lambda i: (0, 0)),
            pl.BlockSpec((N_GRAPHS, 1), lambda i: (0, 0)),
        ],
        out_shape=[
            jax.ShapeDtypeStruct((N_GRAPHS, 128), jnp.float32),
            jax.ShapeDtypeStruct((N_GRAPHS, 1), jnp.float32),
        ],
    )(x, x, x, batch32)
    return pl.pallas_call(
        _tc_mlp_body,
        out_shape=jax.ShapeDtypeStruct((N_GRAPHS, 128), jnp.float32),
    )(sums_p, tc_part, cnt, u.reshape(N_GRAPHS, 6), W1,
      b1.reshape(1, HIDDEN), W2, b2.reshape(1, HIDDEN), W3,
      b3.reshape(1, 128))

# --- scband reference (transcript-rebuilt; emitter-appended) ---
"""Pipeline reference for scband-global-model-15676630631270 (READ-ONLY COPY).

The authoritative reference and input builder live on the scoring server;
editing this copy changes nothing except your own understanding.
"""

import jax, jax.numpy as jnp
import numpy as np

NUM_GRAPHS = 64

def setup_inputs(seed: int = 0) -> dict:
    key = jax.random.key(seed)
    ks = jax.random.split(key, 12)
    x = jax.random.normal(ks[0], (10000, 128), dtype=jnp.float32)
    edge_index = jax.random.randint(ks[1], (2, 320000), 0, 10000, dtype=jnp.int64)
    edge_attr = jax.random.normal(ks[2], (320000, 4), dtype=jnp.float32)
    u = jax.random.normal(ks[3], (NUM_GRAPHS, 6), dtype=jnp.float32)
    batch = jnp.sort(jax.random.randint(ks[4], (10000,), 0, NUM_GRAPHS, dtype=jnp.int64))
    ins, hiddens, outs = 132, 512, 128
    s1 = 1.0 / np.sqrt(ins + 2)
    s2 = 1.0 / np.sqrt(hiddens)
    W1 = jax.random.uniform(ks[5], (ins + 2, hiddens), jnp.float32, -s1, s1)
    b1 = jax.random.uniform(ks[6], (hiddens,), jnp.float32, -s1, s1)
    W2 = jax.random.uniform(ks[7], (hiddens, hiddens), jnp.float32, -s2, s2)
    b2 = jax.random.uniform(ks[8], (hiddens,), jnp.float32, -s2, s2)
    W3 = jax.random.uniform(ks[9], (hiddens, outs), jnp.float32, -s2, s2)
    b3 = jax.random.uniform(ks[10], (hiddens,), jnp.float32, -s2, s2)[:outs]
    return {"x": x, "edge_index": edge_index, "edge_attr": edge_attr, "u": u, "batch": batch,
            "W1": W1, "b1": b1, "W2": W2, "b2": b2, "W3": W3, "b3": b3}

def reference(x, edge_index, edge_attr, u, batch, W1, b1, W2, b2, W3, b3):
    u = u.reshape(-1, 6)
    sums = jax.ops.segment_sum(x, batch, num_segments=NUM_GRAPHS)
    cnt = jax.ops.segment_sum(jnp.ones((x.shape[0], 1), dtype=x.dtype), batch, num_segments=NUM_GRAPHS)
    x_mean = sums / jnp.maximum(cnt, 1.0)
    out = jnp.concatenate([u, x_mean], axis=1)
    out = jax.nn.relu(out @ W1 + b1)
    out = jax.nn.relu(out @ W2 + b2)
    out = out @ W3 + b3
    return out

if __name__ == "__main__":
    import jax
    _d = setup_inputs()
    print(jax.jit(kernel)(*tuple(_d.values())))

</pallas_src>

<mosaic_0001>
#map = affine_map<(d0, d1) -> (0, 0)>
#map1 = affine_map<(d0, d1) -> (0)>
#map2 = affine_map<(d0, d1) -> (0, 0, 0)>
module attributes {stable_mosaic.version = 14 : i64} {
  func.func @_sc_segment_sums(%arg0: i32, %arg1: i32, %arg2: memref<10000x128xf32, #tpu.memory_space<hbm>>, %arg3: memref<10000xi32, #tpu.memory_space<hbm>>, %arg4: memref<2x64x128xf32, #tpu.memory_space<hbm>>, %arg5: memref<1x64x128xf32, #tpu.memory_space<vmem>>, %arg6: memref<1x64xi32, #tpu.memory_space<vmem>>, %arg7: memref<4x128xf32, #tpu.memory_space<vmem>>, %arg8: memref<64x128xf32, #tpu.memory_space<vmem_shared>>, %arg9: memref<!tpu.dma_semaphore, #tpu.memory_space<semaphore_mem>>, %arg10: memref<!tpu.dma_semaphore, #tpu.memory_space<semaphore_mem>>, %arg11: memref<!tpu.dma_semaphore, #tpu.memory_space<semaphore_mem>>) attributes {dimension_semantics = [#tpu.dimension_semantics<core_parallel>, #tpu.dimension_semantics<subcore_parallel>], iteration_bounds = array<i64: 2, 16>, scalar_prefetch = 0 : i64, scratch_operands = 7 : i64, tpu.core_type = #tpu.core_type<sc_vector_subcore>, window_params = [{transform_indices = #map}, {transform_indices = #map1}, {transform_indices = #map2}]} {
    %mul3A = arith.constant 2 : i32
    %mul3A_0 = arith.muli %arg1, %mul3A : i32
    %add3A = arith.addi %mul3A_0, %arg0 : i32
    %mul3A_1 = arith.constant 64 : i32
    %mul3A_2 = arith.muli %add3A, %mul3A_1 : i32
    %add3A_3 = arith.constant 4608 : i32
    %add3A_4 = arith.addi %add3A_3, %mul3A_2 : i32
    %broadcast_in_dim3A = arith.constant 0.000000e+00 : f32
    %broadcast_in_dim3A_5 = vector.broadcast %broadcast_in_dim3A : f32 to vector<16xf32>
    %add3A_6 = arith.constant 0 : i32
    %add3A_7 = arith.addi %add3A_4, %add3A_6 : i32
    %dma_start3A = arith.constant 0 : i32
    %dma_start3A_8 = arith.constant 0 : i32
    %dma_start3A_9 = arith.constant 0 : i32
    %dma_start3A_10 = tpu.memref_slice %arg5[%dma_start3A, %dma_start3A_8, %dma_start3A_9] : memref<1x64x128xf32, #tpu.memory_space<vmem>> -> memref<1x64x128xf32, #tpu.memory_space<vmem>>
    %dma_start3A_11 = tpu.memref_squeeze %dma_start3A_10 : memref<1x64x128xf32, #tpu.memory_space<vmem>> -> memref<64x128xf32, #tpu.memory_space<vmem>>
    %dma_start3A_12 = arith.constant 0 : i32
    %dma_start3A_13 = tpu.memref_slice %arg2[%add3A_7, %dma_start3A_12] : memref<10000x128xf32, #tpu.memory_space<hbm>> -> memref<64x128xf32, #tpu.memory_space<hbm>>
    %dma_start3A_14 = arith.constant 0 : i32
    %dma_start3A_15 = arith.constant 0 : i32
    %dma_start3A_16 = tpu.memref_slice %arg5[%dma_start3A, %dma_start3A_14, %dma_start3A_15] : memref<1x64x128xf32, #tpu.memory_space<vmem>> -> memref<1x64x128xf32, #tpu.memory_space<vmem>>
    %dma_start3A_17 = tpu.memref_squeeze %dma_start3A_16 : memref<1x64x128xf32, #tpu.memory_space<vmem>> -> memref<64x128xf32, #tpu.memory_space<vmem>>
    %dma_start3A_18 = arith.constant 0 : i32
    %dma_start3A_19 = tpu.memref_slice %arg2[%add3A_7, %dma_start3A_18] : memref<10000x128xf32, #tpu.memory_space<hbm>> -> memref<64x128xf32, #tpu.memory_space<hbm>>
    tpu.enqueue_dma source(%dma_start3A_19 : memref<64x128xf32, #tpu.memory_space<hbm>>) target(%dma_start3A_17 : memref<64x128xf32, #tpu.memory_space<vmem>>) target_semaphore(%arg10 : memref<!tpu.dma_semaphore, #tpu.memory_space<semaphore_mem>>)
    %add3A_20 = arith.constant 0 : i32
    %add3A_21 = arith.addi %add3A_4, %add3A_20 : i32
    %dma_start3A_22 = arith.constant 0 : i32
    %dma_start3A_23 = arith.constant 0 : i32
    %dma_start3A_24 = tpu.memref_slice %arg6[%dma_start3A_22, %dma_start3A_23] : memref<1x64xi32, #tpu.memory_space<vmem>> -> memref<1x64xi32, #tpu.memory_space<vmem>>
    %dma_start3A_25 = tpu.memref_squeeze %dma_start3A_24 : memref<1x64xi32, #tpu.memory_space<vmem>> -> memref<64xi32, #tpu.memory_space<vmem>>
    %dma_start3A_26 = tpu.memref_slice %arg3[%add3A_21] : memref<10000xi32, #tpu.memory_space<hbm>> -> memref<64xi32, #tpu.memory_space<hbm>>
    %dma_start3A_27 = arith.constant 0 : i32
    %dma_start3A_28 = tpu.memref_slice %arg6[%dma_start3A_22, %dma_start3A_27] : memref<1x64xi32, #tpu.memory_space<vmem>> -> memref<1x64xi32, #tpu.memory_space<vmem>>
    %dma_start3A_29 = tpu.memref_squeeze %dma_start3A_28 : memref<1x64xi32, #tpu.memory_space<vmem>> -> memref<64xi32, #tpu.memory_space<vmem>>
    %dma_start3A_30 = tpu.memref_slice %arg3[%add3A_21] : memref<10000xi32, #tpu.memory_space<hbm>> -> memref<64xi32, #tpu.memory_space<hbm>>
    tpu.enqueue_dma source(%dma_start3A_30 : memref<64xi32, #tpu.memory_space<hbm>>) target(%dma_start3A_29 : memref<64xi32, #tpu.memory_space<vmem>>) target_semaphore(%arg9 : memref<!tpu.dma_semaphore, #tpu.memory_space<semaphore_mem>>)
    %scan3A = arith.constant 0 : i32
    %scan3A_31 = arith.constant 4 : i32
    %scan3A_32 = arith.addi %scan3A, %scan3A_31 : i32
    %scan3A_33 = arith.constant 1 : i32
    scf.for %scan3A_87 = %scan3A to %scan3A_32 step %scan3A_33  : i32 {
      %mul3A_88 = arith.constant 1 : i32
      %mul3A_89 = arith.muli %scan3A_87, %mul3A_88 : i32
      %add3A_90 = arith.constant 0 : i32
      %add3A_91 = arith.addi %add3A_90, %mul3A_89 : i32
      %scan3A_92 = arith.constant 0 : i32
      %scan3A_93 = arith.constant 8 : i32
      %scan3A_94 = arith.addi %scan3A_92, %scan3A_93 : i32
      %scan3A_95 = arith.constant 1 : i32
      scf.for %scan3A_97 = %scan3A_92 to %scan3A_94 step %scan3A_95  : i32 {
        %mul3A_98 = arith.constant 16 : i32
        %mul3A_99 = arith.muli %scan3A_97, %mul3A_98 : i32
        %add3A_100 = arith.constant 0 : i32
        %add3A_101 = arith.addi %add3A_100, %mul3A_99 : i32
        %swap3A = arith.index_cast %add3A_91 : i32 to index
        %swap3A_102 = arith.index_cast %add3A_101 : i32 to index
        %swap3A_103 = tpu.vector_load %arg7[%swap3A, %swap3A_102] {strides = array<i32>} : memref<4x128xf32, #tpu.memory_space<vmem>>, vector<1x16xf32>,
        %swap3A_104 = vector.shape_cast %swap3A_103 : vector<1x16xf32> to vector<16xf32>
        %swap3A_105 = vector.shape_cast %broadcast_in_dim3A_5 : vector<16xf32> to vector<1x16xf32>
        tpu.vector_store %arg7[%swap3A, %swap3A_102], %swap3A_105 {strides = array<i32>} : memref<4x128xf32, #tpu.memory_space<vmem>>, vector<1x16xf32>,
      }
      %scan3A_96 = arith.constant 8 : i32
    }
    %scan3A_34 = arith.constant 4 : i32
    %mul3A_35 = arith.constant 4 : i32
    %mul3A_36 = arith.muli %arg1, %mul3A_35 : i32
    "tpu.region"() ({
      %run_scoped3A = tpu.sem_alloc : memref<!tpu.dma_semaphore, #tpu.memory_space<semaphore_mem>>
      %dma_start3A_87 = arith.constant 0 : i32
      %dma_start3A_88 = tpu.memref_slice %arg8[%mul3A_36, %dma_start3A_87] : memref<64x128xf32, #tpu.memory_space<vmem_shared>> -> memref<4x128xf32, #tpu.memory_space<vmem_shared>>
      %dma_start3A_89 = arith.constant 0 : i32
      %dma_start3A_90 = tpu.memref_slice %arg8[%mul3A_36, %dma_start3A_89] : memref<64x128xf32, #tpu.memory_space<vmem_shared>> -> memref<4x128xf32, #tpu.memory_space<vmem_shared>>
      tpu.enqueue_dma source(%arg7 : memref<4x128xf32, #tpu.memory_space<vmem>>) target(%dma_start3A_90 : memref<4x128xf32, #tpu.memory_space<vmem_shared>>) target_semaphore(%run_scoped3A : memref<!tpu.dma_semaphore, #tpu.memory_space<semaphore_mem>>)
      %dma_wait3A_91 = arith.constant 0 : i32
      %dma_wait3A_92 = tpu.memref_slice %arg8[%mul3A_36, %dma_wait3A_91] : memref<64x128xf32, #tpu.memory_space<vmem_shared>> -> memref<4x128xf32, #tpu.memory_space<vmem_shared>>
      %dma_wait3A_93 = arith.constant 0 : i32
      %dma_wait3A_94 = tpu.memref_slice %arg8[%mul3A_36, %dma_wait3A_93] : memref<64x128xf32, #tpu.memory_space<vmem_shared>> -> memref<4x128xf32, #tpu.memory_space<vmem_shared>>
      tpu.wait_dma2 semaphore(%run_scoped3A : memref<!tpu.dma_semaphore, #tpu.memory_space<semaphore_mem>>) src(%arg7 : memref<4x128xf32, #tpu.memory_space<vmem>>) dst(%dma_wait3A_94 : memref<4x128xf32, #tpu.memory_space<vmem_shared>>)
      tpu.yield
    }) : () -> ()
    %dma_wait3A = arith.constant 0 : i32
    %dma_wait3A_37 = arith.constant 0 : i32
    %dma_wait3A_38 = tpu.memref_slice %arg6[%dma_wait3A, %dma_wait3A_37] : memref<1x64xi32, #tpu.memory_space<vmem>> -> memref<1x64xi32, #tpu.memory_space<vmem>>
    %dma_wait3A_39 = tpu.memref_squeeze %dma_wait3A_38 : memref<1x64xi32, #tpu.memory_space<vmem>> -> memref<64xi32, #tpu.memory_space<vmem>>
    %dma_wait3A_40 = tpu.memref_slice %arg3[%add3A_21] : memref<10000xi32, #tpu.memory_space<hbm>> -> memref<64xi32, #tpu.memory_space<hbm>>
    %dma_wait3A_41 = arith.constant 0 : i32
    %dma_wait3A_42 = tpu.memref_slice %arg6[%dma_wait3A, %dma_wait3A_41] : memref<1x64xi32, #tpu.memory_space<vmem>> -> memref<1x64xi32, #tpu.memory_space<vmem>>
    %dma_wait3A_43 = tpu.memref_squeeze %dma_wait3A_42 : memref<1x64xi32, #tpu.memory_space<vmem>> -> memref<64xi32, #tpu.memory_space<vmem>>
    %dma_wait3A_44 = tpu.memref_slice %arg3[%add3A_21] : memref<10000xi32, #tpu.memory_space<hbm>> -> memref<64xi32, #tpu.memory_space<hbm>>
    tpu.wait_dma2 semaphore(%arg9 : memref<!tpu.dma_semaphore, #tpu.memory_space<semaphore_mem>>) src(%dma_wait3A_44 : memref<64xi32, #tpu.memory_space<hbm>>) dst(%dma_wait3A_43 : memref<64xi32, #tpu.memory_space<vmem>>)
    %barrier3A = arith.constant 0 : index
    tpu.barrier barrier_id(%barrier3A)
    %dma_wait3A_45 = arith.constant 0 : i32
    %dma_wait3A_46 = arith.constant 0 : i32
    %dma_wait3A_47 = arith.constant 0 : i32
    %dma_wait3A_48 = tpu.memref_slice %arg5[%dma_wait3A_45, %dma_wait3A_46, %dma_wait3A_47] : memref<1x64x128xf32, #tpu.memory_space<vmem>> -> memref<1x64x128xf32, #tpu.memory_space<vmem>>
    %dma_wait3A_49 = tpu.memref_squeeze %dma_wait3A_48 : memref<1x64x128xf32, #tpu.memory_space<vmem>> -> memref<64x128xf32, #tpu.memory_space<vmem>>
    %dma_wait3A_50 = arith.constant 0 : i32
    %dma_wait3A_51 = tpu.memref_slice %arg2[%add3A_7, %dma_wait3A_50] : memref<10000x128xf32, #tpu.memory_space<hbm>> -> memref<64x128xf32, #tpu.memory_space<hbm>>
    %dma_wait3A_52 = arith.constant 0 : i32
    %dma_wait3A_53 = arith.constant 0 : i32
    %dma_wait3A_54 = tpu.memref_slice %arg5[%dma_wait3A_45, %dma_wait3A_52, %dma_wait3A_53] : memref<1x64x128xf32, #tpu.memory_space<vmem>> -> memref<1x64x128xf32, #tpu.memory_space<vmem>>
    %dma_wait3A_55 = tpu.memref_squeeze %dma_wait3A_54 : memref<1x64x128xf32, #tpu.memory_space<vmem>> -> memref<64x128xf32, #tpu.memory_space<vmem>>
    %dma_wait3A_56 = arith.constant 0 : i32
    %dma_wait3A_57 = tpu.memref_slice %arg2[%add3A_7, %dma_wait3A_56] : memref<10000x128xf32, #tpu.memory_space<hbm>> -> memref<64x128xf32, #tpu.memory_space<hbm>>
    tpu.wait_dma2 semaphore(%arg10 : memref<!tpu.dma_semaphore, #tpu.memory_space<semaphore_mem>>) src(%dma_wait3A_57 : memref<64x128xf32, #tpu.memory_space<hbm>>) dst(%dma_wait3A_55 : memref<64x128xf32, #tpu.memory_space<vmem>>)
    %dma_start3A_58 = arith.constant 0 : i32
    %dma_start3A_59 = arith.constant 0 : i32
    %dma_start3A_60 = arith.constant 0 : i32
    %dma_start3A_61 = arith.constant 0 : i32
    %dma_start3A_62 = tpu.memref_slice %arg5[%dma_start3A_58, %dma_start3A_60, %dma_start3A_61] : memref<1x64x128xf32, #tpu.memory_space<vmem>> -> memref<1x64x128xf32, #tpu.memory_space<vmem>>
    %dma_start3A_63 = tpu.memref_squeeze %dma_start3A_62 : memref<1x64x128xf32, #tpu.memory_space<vmem>> -> memref<64x128xf32, #tpu.memory_space<vmem>>
    %dma_start3A_64 = arith.constant 0 : i32
    %dma_start3A_65 = tpu.memref_slice %arg6[%dma_start3A_59, %dma_start3A_64] : memref<1x64xi32, #tpu.memory_space<vmem>> -> memref<1x64xi32, #tpu.memory_space<vmem>>
    %dma_start3A_66 = tpu.memref_squeeze %dma_start3A_65 : memref<1x64xi32, #tpu.memory_space<vmem>> -> memref<64xi32, #tpu.memory_space<vmem>>
    %dma_start3A_67 = arith.constant 0 : i32
    %dma_start3A_68 = arith.constant 0 : i32
    %dma_start3A_69 = tpu.memref_slice %arg8[%dma_start3A_67, %dma_start3A_68] : memref<64x128xf32, #tpu.memory_space<vmem_shared>> -> memref<64x128xf32, #tpu.memory_space<vmem_shared>>
    tpu.enqueue_indirect_dma source(%dma_start3A_63 : memref<64x128xf32, #tpu.memory_space<vmem>>) target(%dma_start3A_69 : memref<64x128xf32, #tpu.memory_space<vmem_shared>>) offsets(%dma_start3A_66 : memref<64xi32, #tpu.memory_space<vmem>>) semaphore(%arg11 : memref<!tpu.dma_semaphore, #tpu.memory_space<semaphore_mem>>) {add = true}
    %dma_wait3A_70 = arith.constant 0 : i32
    %dma_wait3A_71 = arith.constant 0 : i32
    %dma_wait3A_72 = arith.constant 0 : i32
    %dma_wait3A_73 = arith.constant 0 : i32
    %dma_wait3A_74 = tpu.memref_slice %arg5[%dma_wait3A_70, %dma_wait3A_72, %dma_wait3A_73] : memref<1x64x128xf32, #tpu.memory_space<vmem>> -> memref<1x64x128xf32, #tpu.memory_space<vmem>>
    %dma_wait3A_75 = tpu.memref_squeeze %dma_wait3A_74 : memref<1x64x128xf32, #tpu.memory_space<vmem>> -> memref<64x128xf32, #tpu.memory_space<vmem>>
    %dma_wait3A_76 = arith.constant 0 : i32
    %dma_wait3A_77 = tpu.memref_slice %arg6[%dma_wait3A_71, %dma_wait3A_76] : memref<1x64xi32, #tpu.memory_space<vmem>> -> memref<1x64xi32, #tpu.memory_space<vmem>>
    %dma_wait3A_78 = tpu.memref_squeeze %dma_wait3A_77 : memref<1x64xi32, #tpu.memory_space<vmem>> -> memref<64xi32, #tpu.memory_space<vmem>>
    %dma_wait3A_79 = arith.constant 0 : i32
    %dma_wait3A_80 = arith.constant 0 : i32
    %dma_wait3A_81 = tpu.memref_slice %arg8[%dma_wait3A_79, %dma_wait3A_80] : memref<64x128xf32, #tpu.memory_space<vmem_shared>> -> memref<64x128xf32, #tpu.memory_space<vmem_shared>>
    tpu.wait_indirect_dma semaphore(%arg11 : memref<!tpu.dma_semaphore, #tpu.memory_space<semaphore_mem>>) src(%dma_wait3A_75 : memref<64x128xf32, #tpu.memory_space<vmem>>) dst(%dma_wait3A_81 : memref<64x128xf32, #tpu.memory_space<vmem_shared>>)
    %barrier3A_82 = arith.constant 0 : index
    tpu.barrier barrier_id(%barrier3A_82)
    %mul3A_83 = arith.constant 4 : i32
    %mul3A_84 = arith.muli %arg1, %mul3A_83 : i32
    %mul3A_85 = arith.constant 4 : i32
    %mul3A_86 = arith.muli %arg1, %mul3A_85 : i32
    "tpu.region"() ({
      %run_scoped3A = tpu.sem_alloc : memref<!tpu.dma_semaphore, #tpu.memory_space<semaphore_mem>>
      %dma_start3A_87 = arith.constant 0 : i32
      %dma_start3A_88 = arith.constant 0 : i32
      %dma_start3A_89 = tpu.memref_slice %arg4[%arg0, %dma_start3A_87, %dma_start3A_88] : memref<2x64x128xf32, #tpu.memory_space<hbm>> -> memref<1x64x128xf32, #tpu.memory_space<hbm>>
      %dma_start3A_90 = tpu.memref_squeeze %dma_start3A_89 : memref<1x64x128xf32, #tpu.memory_space<hbm>> -> memref<64x128xf32, #tpu.memory_space<hbm>>
      %dma_start3A_91 = arith.constant 0 : i32
      %dma_start3A_92 = tpu.memref_slice %dma_start3A_90[%mul3A_86, %dma_start3A_91] : memref<64x128xf32, #tpu.memory_space<hbm>> -> memref<4x128xf32, #tpu.memory_space<hbm>>
      %dma_start3A_93 = arith.constant 0 : i32
      %dma_start3A_94 = tpu.memref_slice %arg8[%mul3A_84, %dma_start3A_93] : memref<64x128xf32, #tpu.memory_space<vmem_shared>> -> memref<4x128xf32, #tpu.memory_space<vmem_shared>>
      tpu.enqueue_dma source(%dma_start3A_94 : memref<4x128xf32, #tpu.memory_space<vmem_shared>>) target(%dma_start3A_92 : memref<4x128xf32, #tpu.memory_space<hbm>>) target_semaphore(%run_scoped3A : memref<!tpu.dma_semaphore, #tpu.memory_space<semaphore_mem>>)
      %dma_wait3A_95 = arith.constant 0 : i32
      %dma_wait3A_96 = arith.constant 0 : i32
      %dma_wait3A_97 = tpu.memref_slice %arg4[%arg0, %dma_wait3A_95, %dma_wait3A_96] : memref<2x64x128xf32, #tpu.memory_space<hbm>> -> memref<1x64x128xf32, #tpu.memory_space<hbm>>
      %dma_wait3A_98 = tpu.memref_squeeze %dma_wait3A_97 : memref<1x64x128xf32, #tpu.memory_space<hbm>> -> memref<64x128xf32, #tpu.memory_space<hbm>>
      %dma_wait3A_99 = arith.constant 0 : i32
      %dma_wait3A_100 = tpu.memref_slice %dma_wait3A_98[%mul3A_86, %dma_wait3A_99] : memref<64x128xf32, #tpu.memory_space<hbm>> -> memref<4x128xf32, #tpu.memory_space<hbm>>
      %dma_wait3A_101 = arith.constant 0 : i32
      %dma_wait3A_102 = tpu.memref_slice %arg8[%mul3A_84, %dma_wait3A_101] : memref<64x128xf32, #tpu.memory_space<vmem_shared>> -> memref<4x128xf32, #tpu.memory_space<vmem_shared>>
      tpu.wait_dma2 semaphore(%run_scoped3A : memref<!tpu.dma_semaphore, #tpu.memory_space<semaphore_mem>>) src(%dma_wait3A_102 : memref<4x128xf32, #tpu.memory_space<vmem_shared>>) dst(%dma_wait3A_100 : memref<4x128xf32, #tpu.memory_space<hbm>>)
      tpu.yield
    }) : () -> ()
    return
  }
}

module attributes {stable_mosaic.version = 14 : i64} {
  func.func @_tc_mlp_body(%arg0: memref<2x64x128xf32, #tpu.memory_space<vmem>>, %arg1: memref<64x128xf32, #tpu.memory_space<vmem>>, %arg2: memref<64x1xf32, #tpu.memory_space<vmem>>, %arg3: memref<64x6xf32, #tpu.memory_space<vmem>>, %arg4: memref<134x512xf32, #tpu.memory_space<vmem>>, %arg5: memref<1x512xf32, #tpu.memory_space<vmem>>, %arg6: memref<512x512xf32, #tpu.memory_space<vmem>>, %arg7: memref<1x512xf32, #tpu.memory_space<vmem>>, %arg8: memref<512x128xf32, #tpu.memory_space<vmem>>, %arg9: memref<1x128xf32, #tpu.memory_space<vmem>>, %arg10: memref<64x128xf32, #tpu.memory_space<vmem>>) attributes {dimension_semantics = [], scalar_prefetch = 0 : i64, scratch_operands = 0 : i64, tpu.core_type = #tpu.core_type<tc>} {
    %get3A = arith.constant 0 : index
    %get3A_0 = arith.constant 0 : index
    %get3A_1 = arith.constant 0 : index
    %get3A_2 = vector.load %arg0[%get3A, %get3A_0, %get3A_1] : memref<2x64x128xf32, #tpu.memory_space<vmem>>, vector<1x64x128xf32>
    %get3A_3 = vector.shape_cast %get3A_2 : vector<1x64x128xf32> to vector<64x128xf32>
    %get3A_4 = arith.constant 1 : index
    %get3A_5 = arith.constant 0 : index
    %get3A_6 = arith.constant 0 : index
    %get3A_7 = vector.load %arg0[%get3A_4, %get3A_5, %get3A_6] : memref<2x64x128xf32, #tpu.memory_space<vmem>>, vector<1x64x128xf32>
    %get3A_8 = vector.shape_cast %get3A_7 : vector<1x64x128xf32> to vector<64x128xf32>
    %add3A = arith.addf %get3A_3, %get3A_8 : vector<64x128xf32>
    %get3A_9 = arith.constant 0 : index
    %get3A_10 = arith.constant 0 : index
    %get3A_11 = vector.load %arg1[%get3A_9, %get3A_10] : memref<64x128xf32, #tpu.memory_space<vmem>>, vector<64x128xf32>
    %add3A_12 = arith.addf %add3A, %get3A_11 : vector<64x128xf32>
    %get3A_13 = arith.constant 0 : index
    %get3A_14 = arith.constant 0 : index
    %get3A_15 = vector.load %arg2[%get3A_13, %get3A_14] : memref<64x1xf32, #tpu.memory_space<vmem>>, vector<64x1xf32>
    %max3A = arith.constant 1.000000e+00 : f32
    %max3A_16 = vector.broadcast %max3A : f32 to vector<64x1xf32>
    %max3A_17 = arith.maximumf %get3A_15, %max3A_16 : vector<64x1xf32>
    %div3A = vector.broadcast %max3A_17 : vector<64x1xf32> to vector<64x128xf32>
    %div3A_18 = arith.divf %add3A_12, %div3A : vector<64x128xf32>
    %convert_element_type3A = arith.truncf %div3A_18 : vector<64x128xf32> to vector<64x128xbf16>
    %get3A_19 = arith.constant 0 : index
    %get3A_20 = arith.constant 0 : index
    %get3A_21 = vector.load %arg4[%get3A_19, %get3A_20] : memref<134x512xf32, #tpu.memory_space<vmem>>, vector<6x512xf32>
    %convert_element_type3A_22 = arith.truncf %get3A_21 : vector<6x512xf32> to vector<6x512xbf16>
    %get3A_23 = arith.constant 6 : index
    %get3A_24 = arith.constant 0 : index
    %get3A_25 = vector.load %arg4[%get3A_23, %get3A_24] : memref<134x512xf32, #tpu.memory_space<vmem>>, vector<128x512xf32>
    %convert_element_type3A_26 = arith.truncf %get3A_25 : vector<128x512xf32> to vector<128x512xbf16>
    %get3A_27 = arith.constant 0 : index
    %get3A_28 = arith.constant 0 : index
    %get3A_29 = vector.load %arg3[%get3A_27, %get3A_28] : memref<64x6xf32, #tpu.memory_space<vmem>>, vector<64x6xf32>
    %convert_element_type3A_30 = arith.truncf %get3A_29 : vector<64x6xf32> to vector<64x6xbf16>
    %dot_general3A = arith.constant dense<0.000000e+00> : vector<64x512xf32>
    %dot_general3A_31 = tpu.matmul %convert_element_type3A_30, %convert_element_type3A_22, %dot_general3A {dimension_numbers = #tpu.dot_dimension_numbers<[1], [0], [0], [1], [0, 0, 1, 1], [], []>, transpose_lhs_hint = false} : vector<64x6xbf16>, vector<6x512xbf16>, vector<64x512xf32> -> vector<64x512xf32>
    %dot_general3A_32 = arith.constant dense<0.000000e+00> : vector<64x512xf32>
    %dot_general3A_33 = tpu.matmul %convert_element_type3A, %convert_element_type3A_26, %dot_general3A_32 {dimension_numbers = #tpu.dot_dimension_numbers<[1], [0], [0], [1], [0, 0, 1, 1], [], []>, transpose_lhs_hint = false} : vector<64x128xbf16>, vector<128x512xbf16>, vector<64x512xf32> -> vector<64x512xf32>
    %add3A_34 = arith.addf %dot_general3A_31, %dot_general3A_33 : vector<64x512xf32>
    %get3A_35 = arith.constant 0 : index
    %get3A_36 = arith.constant 0 : index
    %get3A_37 = vector.load %arg5[%get3A_35, %get3A_36] : memref<1x512xf32, #tpu.memory_space<vmem>>, vector<1x512xf32>
    %add3A_38 = vector.broadcast %get3A_37 : vector<1x512xf32> to vector<64x512xf32>
    %add3A_39 = arith.addf %add3A_34, %add3A_38 : vector<64x512xf32>
    %max3A_40 = arith.constant 0.000000e+00 : f32
    %max3A_41 = vector.broadcast %max3A_40 : f32 to vector<64x512xf32>
    %max3A_42 = arith.maximumf %add3A_39, %max3A_41 : vector<64x512xf32>
    %convert_element_type3A_43 = arith.truncf %max3A_42 : vector<64x512xf32> to vector<64x512xbf16>
    %get3A_44 = arith.constant 0 : index
    %get3A_45 = arith.constant 0 : index
    %get3A_46 = vector.load %arg6[%get3A_44, %get3A_45] : memref<512x512xf32, #tpu.memory_space<vmem>>, vector<512x512xf32>
    %convert_element_type3A_47 = arith.truncf %get3A_46 : vector<512x512xf32> to vector<512x512xbf16>
    %dot_general3A_48 = arith.constant dense<0.000000e+00> : vector<64x512xf32>
    %dot_general3A_49 = tpu.matmul %convert_element_type3A_43, %convert_element_type3A_47, %dot_general3A_48 {dimension_numbers = #tpu.dot_dimension_numbers<[1], [0], [0], [1], [0, 0, 1, 1], [], []>, transpose_lhs_hint = false} : vector<64x512xbf16>, vector<512x512xbf16>, vector<64x512xf32> -> vector<64x512xf32>
    %get3A_50 = arith.constant 0 : index
    %get3A_51 = arith.constant 0 : index
    %get3A_52 = vector.load %arg7[%get3A_50, %get3A_51] : memref<1x512xf32, #tpu.memory_space<vmem>>, vector<1x512xf32>
    %add3A_53 = vector.broadcast %get3A_52 : vector<1x512xf32> to vector<64x512xf32>
    %add3A_54 = arith.addf %dot_general3A_49, %add3A_53 : vector<64x512xf32>
    %max3A_55 = arith.constant 0.000000e+00 : f32
    %max3A_56 = vector.broadcast %max3A_55 : f32 to vector<64x512xf32>
    %max3A_57 = arith.maximumf %add3A_54, %max3A_56 : vector<64x512xf32>
    %convert_element_type3A_58 = arith.truncf %max3A_57 : vector<64x512xf32> to vector<64x512xbf16>
    %get3A_59 = arith.constant 0 : index
    %get3A_60 = arith.constant 0 : index
    %get3A_61 = vector.load %arg8[%get3A_59, %get3A_60] : memref<512x128xf32, #tpu.memory_space<vmem>>, vector<512x128xf32>
    %convert_element_type3A_62 = arith.truncf %get3A_61 : vector<512x128xf32> to vector<512x128xbf16>
    %dot_general3A_63 = arith.constant dense<0.000000e+00> : vector<64x128xf32>
    %dot_general3A_64 = tpu.matmul %convert_element_type3A_58, %convert_element_type3A_62, %dot_general3A_63 {dimension_numbers = #tpu.dot_dimension_numbers<[1], [0], [0], [1], [0, 0, 1, 1], [], []>, transpose_lhs_hint = false} : vector<64x512xbf16>, vector<512x128xbf16>, vector<64x128xf32> -> vector<64x128xf32>
    %get3A_65 = arith.constant 0 : index
    %get3A_66 = arith.constant 0 : index
    %get3A_67 = vector.load %arg9[%get3A_65, %get3A_66] : memref<1x128xf32, #tpu.memory_space<vmem>>, vector<1x128xf32>
    %add3A_68 = vector.broadcast %get3A_67 : vector<1x128xf32> to vector<64x128xf32>
    %add3A_69 = arith.addf %dot_general3A_64, %add3A_68 : vector<64x128xf32>
    %swap3A = arith.constant 0 : index
    %swap3A_70 = arith.constant 0 : index
    %swap3A_71 = vector.load %arg10[%swap3A, %swap3A_70] : memref<64x128xf32, #tpu.memory_space<vmem>>, vector<64x128xf32>
    tpu.vector_store %arg10[%swap3A, %swap3A_70], %add3A_69 {strides = array<i32>} : memref<64x128xf32, #tpu.memory_space<vmem>>, vector<64x128xf32>,
    return
  }
}

module attributes {stable_mosaic.version = 14 : i64} {
  func.func @_tc_partial_body(%arg0: i32, %arg1: memref<4608x128xf32, #tpu.memory_space<vmem>>, %arg2: memref<3328x128xf32, #tpu.memory_space<vmem>>, %arg3: memref<16x128xf32, #tpu.memory_space<vmem>>, %arg4: memref<10000xi32, #tpu.memory_space<vmem>>, %arg5: memref<64x128xf32, #tpu.memory_space<vmem>>, %arg6: memref<64x1xf32, #tpu.memory_space<vmem>>) attributes {dimension_semantics = [#tpu.dimension_semantics<arbitrary>], iteration_bounds = array<i64: 1>, scalar_prefetch = 0 : i64, scratch_operands = 0 : i64, tpu.core_type = #tpu.core_type<tc>, window_params = [{transform_indices = @transform_0, window_bounds = array<i64: 4608, 128>}, {transform_indices = @transform_1, window_bounds = array<i64: 3328, 128>}, {transform_indices = @transform_2, window_bounds = array<i64: 16, 128>}, {pipeline_mode = #tpu.pipeline_mode<synchronous>, transform_indices = @transform_3, window_bounds = array<i64: 10000>}, {pipeline_mode = #tpu.pipeline_mode<synchronous>, transform_indices = @transform_4, window_bounds = array<i64: 64, 128>}, {pipeline_mode = #tpu.pipeline_mode<synchronous>, transform_indices = @transform_5, window_bounds = array<i64: 64, 1>}]} {
    %get3A = arith.constant 0 : index
    %get3A_0 = vector.load %arg4[%get3A] : memref<10000xi32, #tpu.memory_space<vmem>>, vector<4608xi32>
    %iota3A = tpu.iota {dimensions = array<i32: 0>} : vector<64x4608xi32>
    %broadcast_in_dim3A = vector.shape_cast %get3A_0 : vector<4608xi32> to vector<1x4608xi32>
    %eq3A = vector.broadcast %broadcast_in_dim3A : vector<1x4608xi32> to vector<64x4608xi32>
    %eq3A_1 = arith.cmpi eq, %eq3A, %iota3A : vector<64x4608xi32>
    %convert_element_type3A = arith.extui %eq3A_1 : vector<64x4608xi1> to vector<64x4608xi32>
    %convert_element_type3A_2 = arith.sitofp %convert_element_type3A : vector<64x4608xi32> to vector<64x4608xf32>
    %convert_element_type3A_3 = arith.truncf %convert_element_type3A_2 : vector<64x4608xf32> to vector<64x4608xbf16>
    %get3A_4 = arith.constant 0 : index
    %get3A_5 = arith.constant 0 : index
    %get3A_6 = vector.load %arg1[%get3A_4, %get3A_5] : memref<4608x128xf32, #tpu.memory_space<vmem>>, vector<4608x128xf32>
    %convert_element_type3A_7 = arith.truncf %get3A_6 : vector<4608x128xf32> to vector<4608x128xbf16>
    %dot_general3A = arith.constant dense<0.000000e+00> : vector<64x128xf32>
    %dot_general3A_8 = tpu.matmul %convert_element_type3A_3, %convert_element_type3A_7, %dot_general3A {dimension_numbers = #tpu.dot_dimension_numbers<[1], [0], [0], [1], [0, 0, 1, 1], [], []>, transpose_lhs_hint = false} : vector<64x4608xbf16>, vector<4608x128xbf16>, vector<64x128xf32> -> vector<64x128xf32>
    %get3A_9 = arith.constant 6656 : index
    %get3A_10 = vector.load %arg4[%get3A_9] : memref<10000xi32, #tpu.memory_space<vmem>>, vector<3328xi32>
    %iota3A_11 = tpu.iota {dimensions = array<i32: 0>} : vector<64x3328xi32>
    %broadcast_in_dim3A_12 = vector.shape_cast %get3A_10 : vector<3328xi32> to vector<1x3328xi32>
    %eq3A_13 = vector.broadcast %broadcast_in_dim3A_12 : vector<1x3328xi32> to vector<64x3328xi32>
    %eq3A_14 = arith.cmpi eq, %eq3A_13, %iota3A_11 : vector<64x3328xi32>
    %convert_element_type3A_15 = arith.extui %eq3A_14 : vector<64x3328xi1> to vector<64x3328xi32>
    %convert_element_type3A_16 = arith.sitofp %convert_element_type3A_15 : vector<64x3328xi32> to vector<64x3328xf32>
    %convert_element_type3A_17 = arith.truncf %convert_element_type3A_16 : vector<64x3328xf32> to vector<64x3328xbf16>
    %get3A_18 = arith.constant 0 : index
    %get3A_19 = arith.constant 0 : index
    %get3A_20 = vector.load %arg2[%get3A_18, %get3A_19] : memref<3328x128xf32, #tpu.memory_space<vmem>>, vector<3328x128xf32>
    %convert_element_type3A_21 = arith.truncf %get3A_20 : vector<3328x128xf32> to vector<3328x128xbf16>
    %dot_general3A_22 = arith.constant dense<0.000000e+00> : vector<64x128xf32>
    %dot_general3A_23 = tpu.matmul %convert_element_type3A_17, %convert_element_type3A_21, %dot_general3A_22 {dimension_numbers = #tpu.dot_dimension_numbers<[1], [0], [0], [1], [0, 0, 1, 1], [], []>, transpose_lhs_hint = false} : vector<64x3328xbf16>, vector<3328x128xbf16>, vector<64x128xf32> -> vector<64x128xf32>
    %add3A = arith.addf %dot_general3A_8, %dot_general3A_23 : vector<64x128xf32>
    %get3A_24 = arith.constant 9984 : index
    %get3A_25 = vector.load %arg4[%get3A_24] : memref<10000xi32, #tpu.memory_space<vmem>>, vector<16xi32>
    %iota3A_26 = tpu.iota {dimensions = array<i32: 0>} : vector<64x16xi32>
    %broadcast_in_dim3A_27 = vector.shape_cast %get3A_25 : vector<16xi32> to vector<1x16xi32>
    %eq3A_28 = vector.broadcast %broadcast_in_dim3A_27 : vector<1x16xi32> to vector<64x16xi32>
    %eq3A_29 = arith.cmpi eq, %eq3A_28, %iota3A_26 : vector<64x16xi32>
    %convert_element_type3A_30 = arith.extui %eq3A_29 : vector<64x16xi1> to vector<64x16xi32>
    %convert_element_type3A_31 = arith.sitofp %convert_element_type3A_30 : vector<64x16xi32> to vector<64x16xf32>
    %convert_element_type3A_32 = arith.truncf %convert_element_type3A_31 : vector<64x16xf32> to vector<64x16xbf16>
    %get3A_33 = arith.constant 0 : index
    %get3A_34 = arith.constant 0 : index
    %get3A_35 = vector.load %arg3[%get3A_33, %get3A_34] : memref<16x128xf32, #tpu.memory_space<vmem>>, vector<16x128xf32>
    %convert_element_type3A_36 = arith.truncf %get3A_35 : vector<16x128xf32> to vector<16x128xbf16>
    %dot_general3A_37 = arith.constant dense<0.000000e+00> : vector<64x128xf32>
    %dot_general3A_38 = tpu.matmul %convert_element_type3A_32, %convert_element_type3A_36, %dot_general3A_37 {dimension_numbers = #tpu.dot_dimension_numbers<[1], [0], [0], [1], [0, 0, 1, 1], [], []>, transpose_lhs_hint = false} : vector<64x16xbf16>, vector<16x128xbf16>, vector<64x128xf32> -> vector<64x128xf32>
    %add3A_39 = arith.addf %add3A, %dot_general3A_38 : vector<64x128xf32>
    %swap3A = arith.constant 0 : index
    %swap3A_40 = arith.constant 0 : index
    %swap3A_41 = vector.load %arg5[%swap3A, %swap3A_40] : memref<64x128xf32, #tpu.memory_space<vmem>>, vector<64x128xf32>
    tpu.vector_store %arg5[%swap3A, %swap3A_40], %add3A_39 {strides = array<i32>} : memref<64x128xf32, #tpu.memory_space<vmem>>, vector<64x128xf32>,
    %iota3A_42 = tpu.iota {dimensions = array<i32: 0>} : vector<64x10000xi32>
    %get3A_43 = arith.constant 0 : index
    %get3A_44 = vector.load %arg4[%get3A_43] : memref<10000xi32, #tpu.memory_space<vmem>>, vector<10000xi32>
    %broadcast_in_dim3A_45 = vector.shape_cast %get3A_44 : vector<10000xi32> to vector<1x10000xi32>
    %eq3A_46 = vector.broadcast %broadcast_in_dim3A_45 : vector<1x10000xi32> to vector<64x10000xi32>
    %eq3A_47 = arith.cmpi eq, %eq3A_46, %iota3A_42 : vector<64x10000xi32>
    %convert_element_type3A_48 = arith.extui %eq3A_47 : vector<64x10000xi1> to vector<64x10000xi32>
    %convert_element_type3A_49 = arith.sitofp %convert_element_type3A_48 : vector<64x10000xi32> to vector<64x10000xf32>
    %reduce_sum3A = arith.constant dense<0.000000e+00> : vector<64xf32>
    %reduce_sum3A_50 = vector.multi_reduction <add>, %convert_element_type3A_49, %reduce_sum3A [1] : vector<64x10000xf32> to vector<64xf32>
    %broadcast_in_dim3A_51 = vector.shape_cast %reduce_sum3A_50 : vector<64xf32> to vector<64x1xf32>
    %swap3A_52 = arith.constant 0 : index
    %swap3A_53 = arith.constant 0 : index
    %swap3A_54 = vector.load %arg6[%swap3A_52, %swap3A_53] : memref<64x1xf32, #tpu.memory_space<vmem>>, vector<64x1xf32>
    tpu.vector_store %arg6[%swap3A_52, %swap3A_53], %broadcast_in_dim3A_51 {strides = array<i32>} : memref<64x1xf32, #tpu.memory_space<vmem>>, vector<64x1xf32>,
    return
  }
  func.func @transform_0(%arg0: i32) -> (i32, i32) {
    %c0_i32 = arith.constant 0 : i32
    %c0_i32_0 = arith.constant 0 : i32
    %c0_i32_1 = arith.constant 0 : i32
    return %c0_i32, %c0_i32_0 : i32, i32
  }
  func.func @transform_1(%arg0: i32) -> (i32, i32) {
    %c2_i32 = arith.constant 2 : i32
    %c0_i32 = arith.constant 0 : i32
    %c0_i32_0 = arith.constant 0 : i32
    return %c2_i32, %c0_i32 : i32, i32
  }
  func.func @transform_2(%arg0: i32) -> (i32, i32) {
    %c624_i32 = arith.constant 624 : i32
    %c0_i32 = arith.constant 0 : i32
    %c0_i32_0 = arith.constant 0 : i32
    return %c624_i32, %c0_i32 : i32, i32
  }
  func.func @transform_3(%arg0: i32) -> i32 {
    %c0_i32 = arith.constant 0 : i32
    %c0_i32_0 = arith.constant 0 : i32
    return %c0_i32 : i32
  }
  func.func @transform_4(%arg0: i32) -> (i32, i32) {
    %c0_i32 = arith.constant 0 : i32
    %c0_i32_0 = arith.constant 0 : i32
    %c0_i32_1 = arith.constant 0 : i32
    return %c0_i32, %c0_i32_0 : i32, i32
  }
  func.func @transform_5(%arg0: i32) -> (i32, i32) {
    %c0_i32 = arith.constant 0 : i32
    %c0_i32_0 = arith.constant 0 : i32
    %c0_i32_1 = arith.constant 0 : i32
    return %c0_i32, %c0_i32_0 : i32, i32
  }
}

</mosaic_0001>

<sc_bundles>
// kernel: kernel.5.cloned.1.call-start
scs
__scs_entry_jumppad:
0x0: {  	(pc) =	sbr.rel $0x88, $3  }
0x1: {  	(tag) =	ssettag $0x0;
	lr =	simm.s32 $0x1  }
0x2: {  	[smem:$0x3F98] =	sst lr;
	_ =	strace $0xD0000000  }
0x3: {  	_ = 	snop  }
0x4: {  	_ = 	snop  }
0x5: {  	_ = 	snop  }
0x6: {  	_ = 	snop  }
0x7: {  	_ = 	snop  }
__scs_overlays_trampoline_lowered:
0x8: {  	[smem:$0x3FA7] =	sst s0  }
0x9: {  	[smem:$0x3FA8] =	sst s1  }
0xa: {  	[smem:$0x3FA9] =	sst s2  }
0xb: {  	[smem:$0x3FAA] =	sst s3  }
0xc: {  	[smem:$0x3FAB] =	sst s4  }
0xd: {  	[smem:$0x3FAC] =	sst s5  }
0xe: {  	[smem:$0x3FAD] =	sst s6  }
0xf: {  	[smem:$0x3FAE] =	sst s7  }
0x10: {  	[smem:$0x3FAF] =	sst s8  }
0x11: {  	[smem:$0x3FB0] =	sst s9;
	s0 =	simm.s32 @!p0 $0x0  }
0x12: {  	s1 =	sld [smem:$0x3F96];
	s0 =	simm.s32 @p0 $0x1  }
0x13: {  	[smem:$0x3FB1] =	sst s0;
	s0 =	simm.s32 @!p1 $0x0  }
0x14: {  	s2 =	sld [smem:$0x3F95];
	s0 =	simm.s32 @p1 $0x1  }
0x15: {  	[smem:$0x3FB2] =	sst s0;
	s0 =	simm.s32 @!p2 $0x0  }
0x16: {  	s3 =	sld [smem:$0x3FDB];
	s0 =	simm.s32 @p2 $0x1  }
0x17: {  	s4 =	simm.s32 $0x1BF5;
	[smem:$0x3FB4] =	sst s0  }
0x18: {  	s0 =	sld [smem:$0x3F97];
	_ =	swait.ge [sflag:s4], $0x0  }
0x19: {  	s7 =	sld [smem:$0x3F98]  }
0x1a: {  	s8 =	sadd.s32 $0xFFFFE003, lr  }
0x1b: {  	s9 =	sadd.s32 $0xFFFFFEF7, lr;
	s5 =	simm.s32 $0xFFFFFFFF;
	p2 =	slt.u32 s8, $0xFFFFF086  }
0x1c: {  	p1 =	slt.u32 s9, $0xF7A;
	s5 =	simm.s32 @!p2 $0x0  }
0x1d: {  	s5 =	simm.s32 @p1 $0x1;
	p0 =	seq.s32 s7, s2  }
0x1e: {  	s7 =	smul.u32 @!p0 $0xF7A, s2;
	p2 =	seq.s32 @!p0 s5, $0x0  }
0x1f: {  	s9 =	smul.u32 $0xF7A, s1;
	s8 =	simm.s32 @!p0 $0x1BF5;
	p2 =	por !p2, p0  }
0x20: {  	[sflag:s8] =	ssyncset.s32 @!p0 $0xFFFFF086;
	s6 =	sadd.s32 @!p0 s3, s7;
	s7 =	simm.s32 @!p0 $0x108  }
0x21: {  	s3 =	sadd.s32 s3, s9;
	s6 =	sadd.s32 @!p0 $0x88, s6;
	s7 =	simm.s32 @p2 $0x1082  }
0x22: {  	[simem:s7], [sflag:s8] =	dma.local @!p0 [hbm:s6], $0xF7A  }
0x23: {  	s9 =	sor.u32 $0xD0000000, s2;
	s6 =	simm.s32 $0x108;
	_ =	swait.ge @!p0 [sflag:s8], $0x0  }
0x24: {  	s3 =	sadd.s32 $0x88, s3;
	s6 =	simm.s32 @!p1 $0x1082;
	[sflag:s4] =	ssyncset.s32 $0xFFFFF086  }
0x25: {  	[simem:s6], [sflag:s4] =	dma.local [hbm:s3], $0xF7A  }
0x26: {  	[smem:$0x3F98] =	sst s1;
	(tag) =	ssettag s2;
	_ =	strace s9  }
0x27: {  	s1 =	sld [smem:$0x3FA8]  }
0x28: {  	s2 =	sld [smem:$0x3FA9]  }
0x29: {  	s4 =	sld [smem:$0x3FAB]  }
0x2a: {  	p0 =	seq.s32 s5, $0x0;
	s5 =	sld [smem:$0x3FAC]  }
0x2b: {  	s6 =	sld [smem:$0x3FAD]  }
0x2c: {  	s7 =	sld [smem:$0x3FAE]  }
0x2d: {  	s3 =	simm.s32 $0x108;
	s8 =	sld [smem:$0x3FAF]  }
0x2e: {  	s3 =	simm.s32 @!p0 $0x1082;
	s9 =	sld [smem:$0x3FB0]  }
0x2f: {  	lr =	sadd.s32 s0, s3;
	s0 =	sld [smem:$0x3FA7]  }
0x30: {  	s3 =	sld [smem:$0x3FAA]  }
0x31: {  	[smem:$0x3FB3] =	sst s10  }
0x32: {  	s10 =	sld [smem:$0x3FB1];
	_ =	sdelay $0x3  }
0x33: {  	p0 =	seq.s32 s10, $0x1;
	s10 =	sld [smem:$0x3FB3];
	_ =	sdelay $0x3  }
0x34: {  	[smem:$0x3FB3] =	sst s10  }
0x35: {  	s10 =	sld [smem:$0x3FB2];
	_ =	sdelay $0x3  }
0x36: {  	p1 =	seq.s32 s10, $0x1;
	s10 =	sld [smem:$0x3FB3];
	_ =	sdelay $0x3  }
0x37: {  	[smem:$0x3FB3] =	sst s10  }
0x38: {  	s10 =	sld [smem:$0x3FB4]  }
0x39: {  	_ = 	snop;
	(pc) =	sbr.ind lr, $3  }
0x3a: {  	_ = 	snop  }
0x3b: {  	_ = 	snop  }
0x3c: {  	p2 =	seq.s32 s10, $0x1;
	s10 =	sld [smem:$0x3FB3]  }
0x3d: {  	_ =	shalt  }
0x3e: {  	_ =	shalt  }
0x3f: {  	_ =	shalt  }
0x40: {  	_ =	shalt  }
0x41: {  	_ =	shalt  }
0x42: {  	_ =	shalt  }
0x43: {  	_ =	shalt  }
0x44: {  	_ =	shalt  }
0x45: {  	_ =	shalt  }
0x46: {  	_ =	shalt  }
0x47: {  	_ =	shalt  }
0x48: {  	_ =	shalt  }
0x49: {  	_ =	shalt  }
0x4a: {  	_ =	shalt  }
0x4b: {  	_ =	shalt  }
0x4c: {  	_ =	shalt  }
0x4d: {  	_ =	shalt  }
0x4e: {  	_ =	shalt  }
0x4f: {  	_ =	shalt  }
0x50: {  	_ =	shalt  }
0x51: {  	_ =	shalt  }
0x52: {  	_ =	shalt  }
0x53: {  	_ =	shalt  }
0x54: {  	_ =	shalt  }
0x55: {  	_ =	shalt  }
0x56: {  	_ =	shalt  }
0x57: {  	_ =	shalt  }
0x58: {  	_ =	shalt  }
0x59: {  	_ =	shalt  }
0x5a: {  	_ =	shalt  }
0x5b: {  	_ =	shalt  }
0x5c: {  	_ =	shalt  }
0x5d: {  	_ =	shalt  }
0x5e: {  	_ =	shalt  }
0x5f: {  	_ =	shalt  }
0x60: {  	_ =	shalt  }
0x61: {  	_ =	shalt  }
0x62: {  	_ =	shalt  }
0x63: {  	_ =	shalt  }
0x64: {  	_ =	shalt  }
0x65: {  	_ =	shalt  }
0x66: {  	_ =	shalt  }
0x67: {  	_ =	shalt  }
0x68: {  	_ =	shalt  }
0x69: {  	_ =	shalt  }
0x6a: {  	_ =	shalt  }
0x6b: {  	_ =	shalt  }
0x6c: {  	_ =	shalt  }
0x6d: {  	_ =	shalt  }
0x6e: {  	_ =	shalt  }
0x6f: {  	_ =	shalt  }
0x70: {  	_ =	shalt  }
0x71: {  	_ =	shalt  }
0x72: {  	_ =	shalt  }
0x73: {  	_ =	shalt  }
0x74: {  	_ =	shalt  }
0x75: {  	_ =	shalt  }
0x76: {  	_ =	shalt  }
0x77: {  	_ =	shalt  }
0x78: {  	_ =	shalt  }
0x79: {  	_ =	shalt  }
0x7a: {  	_ =	shalt  }
0x7b: {  	_ =	shalt  }
0x7c: {  	_ =	shalt  }
0x7d: {  	_ =	shalt  }
0x7e: {  	_ =	shalt  }
0x7f: {  	_ =	shalt  }
0x80: {  	_ =	shalt  }
0x81: {  	_ =	shalt  }
0x82: {  	_ =	shalt  }
0x83: {  	_ =	shalt  }
0x84: {  	_ =	shalt  }
0x85: {  	_ =	shalt  }
0x86: {  	_ =	shalt  }
0x87: {  	_ =	shalt  }
.Lfunc_end0:
.L_simem_size_0:
called_computation_lowered:
.L_overlay_start_0:
0x88: {  	s2 =	sld [smem:$0x3FD9]  }
0x89: {  	s3 =	sld [smem:$0x3FFE];
	_ =	sdelay $0x1  }
0x8a: {  	s1 =	srdreg.scid  }
0x8b: {  	s0 =	sand.u32 $0x1, s1  }
0x8c: {  	s17 =	sshll.u32 s0, $0xA;
	s2 =	sadd.s32 s3, s2  }
0x8d: {  	s2 =	sadd.s32 s2, s17  }
0x8e: {  	[smem:$0x3FBF] =	sst s2  }
0x8f: {  	_ = 	snop  }
0x90: {  	s2 =	sld [smem:$0x3FC9]  }
0x91: {  	s18 =	sld [smem:$0x3FC7];
	(tm) =	ssettm $0x1  }
0x92: {  	s4 =	sld [smem:$0x3FFB];
	_ =	sdelay $0x3  }
0x93: {  	_ =	strace s4  }
0x94: {  	s4 =	sld [smem:$0x3FFC];
	_ =	sdelay $0x3  }
0x95: {  	_ =	strace s4  }
0x96: {  	s4 =	sld [smem:$0x3FFD];
	_ =	sdelay $0x3  }
0x97: {  	_ =	strace s4  }
0x98: {  	_ =	strace $0x8FFFFFFF  }
0x99: {  	s19 =	sld [smem:$0x3FDB];
	_ =	sdelay $0x1  }
0x9a: {  	s5 =	simm.s32 $_scs_section_size  }
0x9b: {  	s6 =	simm.s32 $_size__tile_overlayer_lowered;
	s7 =	simm.s32 $_tile_overlayer_lowered  }
0x9c: {  	s22 =	simm.s32 $0x1BFF;
	s21 =	sshll.u32 s7, $0x1;
	s4 =	sadd.s32 s5, s19  }
0x9d: {  	s8 =	simm.s32 $0x0;
	s20 =	sshll.u32 s6, $0x1;
	s6 =	sadd.s32 s21, s4  }
0x9e: {  	[timem:s8], [sflag:s22] =	dma.local [hbm:s6], s20  }
0x9f: {  	_ =	swait.ge [sflag:s22], s20  }
0xa0: {  	s5 =	ssub.s32 $0x0, s20;
	[sflag:s22] =	ssyncset.done $0x0  }
0xa1: {  	[sflag:s22] =	ssyncadd.s32 s5;
	_ =	sdelay $0x1  }
0xa2: {  	s23 =	simm.s32 $0x1B8B  }
0xa3: {  	_ =	swait.ge [sflag:s23], $0x1  }
0xa4: {  	[sflag:s23] =	ssyncset.done $0x0  }
0xa5: {  	s25 =	simm.s32 $0x1B8E;
	s24 =	sld [smem:$0x3FFE];
	[sflag:s23] =	ssyncadd.s32 $0xFFFFFFFF  }
0xa6: {  	s26 =	simm.s32 $execute0_lowered;
	[smem:$0x3FD2] =	sst s25  }
0xa7: {  	s6 =	sshll.u32 s26, $0x1;
	_ =	strace $0x80000046;
	[dreg:$0x1] =	wrdreg $0xFFFFFFFF  }
0xa8: {  	s28 =	simm.s32 $_size_execute0_lowered;
	s4 =	sadd.s32 s4, s6;
	[dreg:$0x0] =	wrdreg $0x0  }
0xa9: {  	s6 =	sshll.u32 s28, $0x1;
	[dreg:$0x2] =	wrdreg s4  }
0xaa: {  	[dreg:$0x3] =	wrdreg s6  }
0xab: {  	[dreg:$0x4] =	wrdreg $0xC0  }
0xac: {  	_ =	task [dreg:s8], $0x5FFFF  }
0xad: {  	[dreg:$0x1] =	wrdreg $0xFFFFFFFF  }
0xae: {  	[dreg:$0x0] =	wrdreg $0x60  }
0xaf: {  	[dreg:$0x2] =	wrdreg s2  }
0xb0: {  	[dreg:$0x3] =	wrdreg s18  }
0xb1: {  	[dreg:$0x4] =	wrdreg s24  }
0xb2: {  	[dreg:$0x5] =	wrdreg $0x22800  }
0xb3: {  	[dreg:$0x6] =	wrdreg $0x9  }
0xb4: {  	_ =	task.clear_ibuf [dreg:s8], $0x7FFFF;
	_ =	strace $0x90000046  }
0xb5: {  	s29 =	simm.s32 $0x9;
	_ =	strace $0x80000048  }
0xb6: {  	_ =	swait.ge [sflag:s29], $0x1  }
0xb7: {  	[sflag:s29] =	ssyncadd.s32 $0xFFFFFFFF  }
0xb8: {  	_ =	strace $0x90000048  }
0xb9: {  	_ =	sfence  }
0xba: {  	s30 =	sld [smem:$0x0];
	_ =	sdelay $0x2  }
0xbb: {  	s31 =	sshll.u32 s1, $0xD;
	s1 =	sshrl.u32 s1, $0x2  }
0xbc: {  	s3 =	sand.u32 $0x4000, s31;
	s1 =	sadd.s32 s1, s30  }
0xbd: {  	s0 =	sor.u32 s3, s0;
	s1 =	sshll.u32 s1, $0x11  }
0xbe: {  	s0 =	sor.u32 s1, s0  }
0xbf: {  	s0 =	sadd.s32 $0x8F2B, s0  }
0xc0: {  	[sflag:s0] =	ssyncadd.remote.s32 $0x1  }
0xc1: {  	_ =	sfence.sel $0xFFFF  }
0xc2: {  	[dreg:$0x0] =	wrdreg $0xFFFFFFFF;
	(pc) =	sbr.abs _section_cstart, $3  }
0xc3: {  	[dreg:$0x1] =	wrdreg $0xFFFFFFFF  }
0xc4: {  	_ =	task.clear_ibuf [dreg:s8], $0x2FFFF;
	_ =	strace $0x9FFFFFFF  }
0xc5: {  	(tm) =	ssettm $0x7FFFFFFF  }
tec
execute0_lowered:
.L_overlay_start_1:
0x0: {  	(tag) =	ssettag $0x1  }
0x1: {  	s4 =	rddreg [dreg:$0x0];
	s0 =	srdreg.scid  }
0x2: {  	s6 =	rddreg [dreg:$0x1];
	s8 =	sand.u32 $0x1, s0;
	s0 =	stileid.u32  }
0x3: {  	s9 =	rddreg [dreg:$0x2];
	s1 =	sshll.u32 s0, $0x7;
	s3 =	sshll.u32 s8, $0x6  }
0x4: {  	s2 =	rddreg [dreg:$0x3];
	s5 =	sor.u32 s3, s1  }
0x5: {  	s1 =	rddreg [dreg:$0x4];
	s3 =	simm.s32 $0x0;
	s7 =	sadd.s32 $0x1200, s5  }
0x6: {  	[smem:$0x7FF] =	sst s3;
	s5 =	sshll.u32 s7, $0x4  }
0x7: {  	_ =	strace $0x80000047;
	s29 =	sshrl.u32 s7, $0x3;
	s5 =	sadd.s32 s4, s5  }
0x8: {  	[tilespmem:s3], [sflag:$0x2] =	stream.linear.gather [hbm4b:s5+s3], $0x2000, $0x38;
	[tilespmem:$0x2480] =	vst v63  }
0x9: {  	s7 =	sadd.s32 s6, s29;
	s4 =	simm.s32 $0x2000  }
0xa: {  	v0 =	vimm.f32 $0.0e+00;
	[tilespmem:s4], [sflag:$0x1] =	stream.linear.gather [hbm4b:s7+s3], $0x40, $0x38;
	[tilespmem:$0x2480] =	vst v63  }
0xb: {  	[tilespmem:$0x2270] =	vst v0  }
0xc: {  	[tilespmem:$0x2260] =	vst v0  }
0xd: {  	[tilespmem:$0x2250] =	vst v0  }
0xe: {  	[tilespmem:$0x2240] =	vst v0  }
0xf: {  	[tilespmem:$0x2230] =	vst v0  }
0x10: {  	[tilespmem:$0x2220] =	vst v0  }
0x11: {  	[tilespmem:$0x2210] =	vst v0  }
0x12: {  	[tilespmem:$0x2200] =	vst v0  }
0x13: {  	[tilespmem:$0x21F0] =	vst v0  }
0x14: {  	[tilespmem:$0x21E0] =	vst v0  }
0x15: {  	s30 =	ssub.s32 $0x2, s8;
	[tilespmem:$0x21D0] =	vst v0  }
0x16: {  	s10 =	sshrl.u32 s30, $0x1;
	[tilespmem:$0x21C0] =	vst v0  }
0x17: {  	s6 =	ssub.s32 s30, s10;
	[tilespmem:$0x21B0] =	vst v0  }
0x18: {  	s17 =	smax.u32 s6, $0x1;
	[tilespmem:$0x21A0] =	vst v0  }
0x19: {  	s16 =	simm.s32 $0x2080;
	s15 =	simm.s32 $0x1;
	p0 =	sne.s32 s17, $0x1;
	[tilespmem:$0x2190] =	vst v0  }
.Ltmp0:
0x1a: {  	s11 =	simm.s32 $0x40;
	s8 =	sshll.u32 s8, $0xA;
	[tilespmem:$0x2180] =	vst v0;
	(pc) =	sbr.rel @!p0 .LBB2_2-.Ltmp0, $4  }
0x1b: {  	s31 =	sshll.u32 s0, $0x9;
	s13 =	sshll.u32 s0, $0x6;
	s8 =	sadd.s32 s8, s9;
	[tilespmem:$0x2170] =	vst v0  }
0x1c: {  	s12 =	sadd.s32 s31, s2;
	s9 =	simm.s32 $0x3;
	s8 =	sadd.s32 $0x1A00, s8;
	[tilespmem:$0x2160] =	vst v0  }
0x1d: {  	s14 =	sshrl.u32 s12, $0x3;
	s8 =	sadd.s32 s13, s8;
	s13 =	sor.u32 $0x1C04, s13;
	[tilespmem:$0x2150] =	vst v0  }
0x1e: {  	s10 =	simm.s32 $0x2;
	s6 =	simm.s32 $0x4;
	s17 =	sadd.s32 $0xFFFFFFFF, s17;
	[tilespmem:$0x2140] =	vst v0  }
.LBB2_1:
0x1f: {  	p0 =	sne.s32 s17, $0x1;
	s17 =	sadd.s32 $0xFFFFFFFF, s17;
	[tilespmem:$0x2130] =	vst v0  }
0x20: {  	[tilespmem:$0x2120] =	vst v0  }
0x21: {  	[tilespmem:$0x2110] =	vst v0  }
0x22: {  	[tilespmem:$0x2100] =	vst v0  }
0x23: {  	[tilespmem:$0x20F0] =	vst v0  }
0x24: {  	[tilespmem:$0x20E0] =	vst v0  }
0x25: {  	[tilespmem:$0x20D0] =	vst v0  }
0x26: {  	[tilespmem:$0x20C0] =	vst v0  }
0x27: {  	[tilespmem:$0x20B0] =	vst v0  }
0x28: {  	[tilespmem:$0x20A0] =	vst v0  }
0x29: {  	[tilespmem:$0x2080] =	vst v0  }
0x2a: {  	[tilespmem:$0x2090] =	vst v0  }
0x2b: {  	[spmem:s12] =	stream.linear.scatter [tilespmem:s16], [sflag:$0x4], $0x200, $0x38;
	[tilespmem:$0x2480] =	vst v63  }
0x2c: {  	_ =	swait.ge [sflag:s6], $0x200  }
0x2d: {  	[sflag:s6] =	ssyncset.done $0x0  }
0x2e: {  	[sflag:s6] =	ssyncadd.s32 $0xFFFFFE00  }
0x2f: {  	_ =	swait.ge [sflag:s15], $0x40  }
0x30: {  	[sflag:s15] =	ssyncset.done $0x0  }
0x31: {  	[sflag:s15] =	ssyncadd.s32 $0xFFFFFFC0  }
0x32: {  	[bflag:$0x0] =	sbarrier.arrive $0xFFFF  }
0x33: {  	_ =	swait.ge [sflag:s10], $0x2000  }
0x34: {  	[sflag:s10] =	ssyncset.done $0x0  }
0x35: {  	[sflag:s10] =	ssyncadd.s32 $0xFFFFE000  }
0x36: {  	[spmem:s2] =	stream.indirect.scatter.add.f32 [tilespmem:s3], [sflag:$0x3], $0x80, s4, s11, $0xb8;
	[tilespmem:$0x2480] =	vst v63  }
0x37: {  	_ =	swait.ge [sflag:s9], $0x2000  }
0x38: {  	[sflag:s9] =	ssyncset.done $0x0  }
0x39: {  	[sflag:s9] =	ssyncadd.s32 $0xFFFFE000  }
0x3a: {  	[bflag:$0x0] =	sbarrier.arrive $0xFFFF  }
0x3b: {  	[hbm:s8], [sflag:s13] =	dma.local [spmem:s14], $0x40  }
0x3c: {  	_ =	swait.ge [sflag:s6], $0x40  }
0x3d: {  	[sflag:s6] =	ssyncset.done $0x0  }
0x3e: {  	[sflag:s6] =	ssyncadd.s32 $0xFFFFFFC0  }
0x3f: {  	[tilespmem:s3], [sflag:$0x2] =	stream.linear.gather [hbm4b:s5+s3], $0x2000, $0x38;
	[tilespmem:$0x2480] =	vst v63  }
0x40: {  	_ = 	snop  }
0x41: {  	[tilespmem:s4], [sflag:$0x1] =	stream.linear.gather [hbm4b:s7+s3], $0x40, $0x38;
	[tilespmem:$0x2480] =	vst v63  }
0x42: {  	[tilespmem:$0x2270] =	vst v0  }
0x43: {  	[tilespmem:$0x2260] =	vst v0  }
0x44: {  	[tilespmem:$0x2250] =	vst v0  }
0x45: {  	[tilespmem:$0x2240] =	vst v0  }
0x46: {  	[tilespmem:$0x2230] =	vst v0  }
0x47: {  	[tilespmem:$0x2220] =	vst v0  }
0x48: {  	[tilespmem:$0x2210] =	vst v0  }
0x49: {  	[tilespmem:$0x2200] =	vst v0  }
0x4a: {  	[tilespmem:$0x21F0] =	vst v0  }
0x4b: {  	[tilespmem:$0x21E0] =	vst v0  }
0x4c: {  	[tilespmem:$0x21D0] =	vst v0  }
0x4d: {  	[tilespmem:$0x21C0] =	vst v0  }
0x4e: {  	[tilespmem:$0x21B0] =	vst v0  }
0x4f: {  	[tilespmem:$0x21A0] =	vst v0  }
0x50: {  	[tilespmem:$0x2190] =	vst v0  }
.Ltmp1:
0x51: {  	[tilespmem:$0x2180] =	vst v0;
	(pc) =	sbr.rel @p0 .LBB2_1-.Ltmp1, $4  }
0x52: {  	[tilespmem:$0x2170] =	vst v0  }
0x53: {  	[tilespmem:$0x2160] =	vst v0  }
0x54: {  	[tilespmem:$0x2150] =	vst v0  }
0x55: {  	[tilespmem:$0x2140] =	vst v0  }
.LBB2_2:
0x56: {  	[tilespmem:$0x2130] =	vst v0  }
0x57: {  	[tilespmem:$0x2120] =	vst v0  }
0x58: {  	[tilespmem:$0x2110] =	vst v0  }
0x59: {  	[tilespmem:$0x2100] =	vst v0  }
0x5a: {  	[tilespmem:$0x20F0] =	vst v0  }
0x5b: {  	[tilespmem:$0x20E0] =	vst v0  }
0x5c: {  	[tilespmem:$0x20D0] =	vst v0  }
0x5d: {  	[tilespmem:$0x20C0] =	vst v0  }
0x5e: {  	[tilespmem:$0x20B0] =	vst v0  }
0x5f: {  	[tilespmem:$0x20A0] =	vst v0  }
0x60: {  	[tilespmem:$0x2080] =	vst v0  }
0x61: {  	[tilespmem:$0x2090] =	vst v0  }
0x62: {  	[spmem:s12] =	stream.linear.scatter [tilespmem:s16], [sflag:$0x4], $0x200, $0x38;
	[tilespmem:$0x2480] =	vst v63  }
0x63: {  	_ =	swait.ge [sflag:s6], $0x200  }
0x64: {  	[sflag:s6] =	ssyncset.done $0x0  }
0x65: {  	[sflag:s6] =	ssyncadd.s32 $0xFFFFFE00  }
0x66: {  	_ =	swait.ge [sflag:s15], $0x40  }
0x67: {  	[sflag:s15] =	ssyncset.done $0x0  }
0x68: {  	[sflag:s15] =	ssyncadd.s32 $0xFFFFFFC0  }
0x69: {  	[bflag:$0x0] =	sbarrier.arrive $0xFFFF  }
0x6a: {  	_ =	swait.ge [sflag:s10], $0x2000  }
0x6b: {  	[sflag:s10] =	ssyncset.done $0x0  }
0x6c: {  	[sflag:s10] =	ssyncadd.s32 $0xFFFFE000  }
0x6d: {  	[spmem:s2] =	stream.indirect.scatter.add.f32 [tilespmem:s3], [sflag:$0x3], $0x80, s4, s11, $0xb8;
	[tilespmem:$0x2480] =	vst v63  }
0x6e: {  	_ =	swait.ge [sflag:s9], $0x2000  }
0x6f: {  	[sflag:s9] =	ssyncset.done $0x0  }
0x70: {  	[sflag:s9] =	ssyncadd.s32 $0xFFFFE000  }
0x71: {  	[bflag:$0x0] =	sbarrier.arrive $0xFFFF  }
0x72: {  	[hbm:s8], [sflag:s13] =	dma.local [spmem:s14], $0x40  }
0x73: {  	_ =	swait.ge [sflag:s6], $0x40  }
0x74: {  	[sflag:s6] =	ssyncset.done $0x0  }
0x75: {  	[sflag:s6] =	ssyncadd.s32 $0xFFFFFFC0  }
0x76: {  	_ =	sfence.sel $0x180000  }
0x77: {  	[bflag:$0x0] =	sbarrier.arrive $0xFFFF  }
0x78: {  	p0 =	sne.s32 s0, $0x0;
	_ =	strace $0x90000047  }
0x79: {  	s0 =	sadd.s32 @!p0 $0x100000, s1;
	[bflag:$0x2] =	sbarrier.arrive $0xFFFF  }
0x7a: {  	[sflag:s0] =	ssyncadd.tile.s32 @!p0 $0x1;
	_ =	shalt  }
.Lfunc_end2:
_tile_overlayer_lowered:
.L_overlay_start_2:
0x7b: {  	(tag) =	ssettag $0x2  }
0x7c: {  	s0 =	rddreg [dreg:$0x0];
	s2 =	stileid.u32  }
0x7d: {  	s1 =	rddreg [dreg:$0x1];
	p0 =	sne.s32 s2, $0x0  }
0x7e: {  	s3 =	rddreg [dreg:$0x2];
	[bflag:$0x3] =	sbarrier.arrive $0xFFFF;
	s2 =	simm.s32 @!p0 $0x1C04  }
0x7f: {  	[timem:s3], [sflag:s2] =	dma.local @!p0 [hbm:s0], s1  }
0x80: {  	s0 =	simm.s32 @!p0 $0x4  }
0x81: {  	_ =	swait.ge @!p0 [sflag:s0], s1  }
0x82: {  	s1 =	ssub.s32 @!p0 $0x0, s1;
	[sflag:s0] =	ssyncset.done @!p0 $0x0  }
0x83: {  	[sflag:s0] =	ssyncadd.s32 @!p0 s1  }
0x84: {  	[bflag:$0x3] =	sbarrier.arrive $0xFFFF  }
0x85: {  	_ =	shalt  }

</sc_bundles>
